<compile_context>
chip_gen: v7x
topology: tpu7x:2x2x1
jax: 0.10.2.dev20260603
libtpu: 0.0.44.dev20260713+nightly
codegen_flags: <defaults>
</compile_context>

<pallas_src>
import functools

import jax
import jax.numpy as jnp
from jax import lax
from jax.experimental import pallas as pl
from jax.experimental.pallas import tpu as pltpu
from jax.experimental.pallas import tpu_sc as plsc

_NC = 2
_NS = 16
_NW = _NC * _NS
_D = 64
_VB = 8192


def _project_table(tt, w128, b128):
    v = tt.shape[1]

    def proj(t_ref, w_ref, b_ref, o_ref):
        r = lax.dot_general(
            t_ref[...], w_ref[...], (((0,), (0,)), ((), ())),
            preferred_element_type=jnp.float32)
        o_ref[...] = r + b_ref[...]

    return pl.pallas_call(
        proj,
        grid=(pl.cdiv(v, _VB),),
        in_specs=[
            pl.BlockSpec((_D, _VB), lambda i: (0, i)),
            pl.BlockSpec((_D, 2 * _D), lambda i: (0, 0)),
            pl.BlockSpec((1, 2 * _D), lambda i: (0, 0)),
        ],
        out_specs=pl.BlockSpec((_VB, 2 * _D), lambda i: (i, 0)),
        out_shape=jax.ShapeDtypeStruct((v, 2 * _D), jnp.float32),
    )(tt, w128, b128)


def _gather_out(x3, ptbl, bsz, seq):
    _, nchunk, chunk = x3.shape
    bpw = bsz // _NW
    mesh = plsc.VectorSubcoreMesh(core_axis_name="c", subcore_axis_name="s")

    @functools.partial(
        pl.kernel,
        mesh=mesh,
        out_type=jax.ShapeDtypeStruct((bsz, seq, 2 * _D), jnp.float32),
        scratch_types=[
            pltpu.VMEM((nchunk, chunk), jnp.int32),
            pltpu.VMEM((chunk, 2 * _D), jnp.float32),
            pltpu.VMEM((chunk, 2 * _D), jnp.float32),
            pltpu.SemaphoreType.DMA,
            pltpu.SemaphoreType.DMA,
        ],
    )
    def k(x_hbm, tbl_hbm, out_hbm, idx_v, rows0, rows1, sem0, sem1):
        wid = lax.axis_index("s") * _NC + lax.axis_index("c")
        b0 = wid * bpw
        pltpu.sync_copy(x_hbm.at[wid], idx_v)

        def start(g, buf, sem):
            pltpu.async_copy(tbl_hbm.at[idx_v.at[g]], buf, sem)

        def drain(g, buf, sem):
            pltpu.make_async_copy(
                tbl_hbm.at[idx_v.at[g]], buf, sem).wait()
            bat = b0 + 2 * g
            pltpu.sync_copy(buf.at[pl.ds(0, seq)], out_hbm.at[bat])
            pltpu.sync_copy(buf.at[pl.ds(seq, seq)], out_hbm.at[bat + 1])

        start(0, rows0, sem0)

        def step(g, carry):
            even = lax.rem(g, 2) == 0

            @pl.when(g + 1 < nchunk)
            def _():
                @pl.when(even)
                def _():
                    start(g + 1, rows1, sem1)

                @pl.when(jnp.logical_not(even))
                def _():
                    start(g + 1, rows0, sem0)

            @pl.when(even)
            def _():
                drain(g, rows0, sem0)

            @pl.when(jnp.logical_not(even))
            def _():
                drain(g, rows1, sem1)

            return carry

        lax.fori_loop(0, nchunk, step, 0)

    return k(x3, ptbl)


def _unpack(g3, bsz, seq):
    bb = 64

    def up(g_ref, o_ref):
        o_ref[...] = g_ref[:, :, : _D]

    return pl.pallas_call(
        up,
        grid=(bsz // bb,),
        in_specs=[pl.BlockSpec((bb, seq, 2 * _D), lambda i: (i, 0, 0))],
        out_specs=pl.BlockSpec((bb, seq, _D), lambda i: (i, 0, 0)),
        out_shape=jax.ShapeDtypeStruct((bsz, seq, _D), jnp.float32),
    )(g3)


def kernel(x, table, W, b):
    bsz, seq = x.shape
    n = bsz * seq
    xf = x.astype(jnp.int32).reshape(_NW, n // (_NW * 2 * seq), 2 * seq)
    tt = table.T
    wt = W.T
    w128 = jnp.concatenate([wt, wt], axis=1)
    b128 = jnp.concatenate([b, b]).reshape(1, 2 * _D)
    ptbl = _project_table(tt, w128, b128)
    g3 = _gather_out(xf, ptbl, bsz, seq)
    return _unpack(g3, bsz, seq)

# --- scband reference (transcript-rebuilt; emitter-appended) ---
"""Pipeline reference for scband-free-embedding-89833535963511 (READ-ONLY COPY).

The authoritative reference and input builder live on the scoring server;
editing this copy changes nothing except your own understanding.
"""

import jax, jax.numpy as jnp
import numpy as np

VOCAB = 1000000
D_PRE = 64
D_OUT = 64
B = 4096
L = 50


def setup_inputs(seed: int = 0) -> dict:
    key = jax.random.key(seed)
    k1, k2, k3, k4 = jax.random.split(key, 4)
    x = jax.random.randint(k1, (B, L), 0, VOCAB)
    # pretrained embedding table (field.vocab.vectors)
    table = jax.random.normal(k2, (VOCAB, D_PRE), dtype=jnp.float32) * 0.02
    # projection Feedforward: Linear(D_PRE -> D_OUT), identity activation, eval-mode dropout
    W = jax.random.normal(k3, (D_OUT, D_PRE), dtype=jnp.float32) * (1.0 / np.sqrt(D_PRE))
    b = jnp.zeros((D_OUT,), dtype=jnp.float32)
    return {"x": x, "table": table, "W": W, "b": b}


def reference(x, table, W, b):
    # FreeEmbedding.forward:
    #   pretrained_embeddings(x) -> gather rows of table
    emb = jnp.take(table, x, axis=0)            # [B, L, D_PRE]
    # self.projection(emb): Dropout(eval=identity) -> Linear -> identity activation
    flat = emb.reshape(-1, D_PRE)
    out = flat @ W.T + b                        # [B*L, D_OUT]
    out = out.reshape(B, L, D_OUT)
    return out

if __name__ == "__main__":
    import jax
    _d = setup_inputs()
    print(jax.jit(kernel)(*tuple(_d.values())))

</pallas_src>

<mosaic_0001>
#map = affine_map<(d0, d1) -> (0, 0, 0)>
#map1 = affine_map<(d0, d1) -> (0, 0)>
module attributes {stable_mosaic.version = 14 : i64} {
  func.func @k(%arg0: i32, %arg1: i32, %arg2: memref<32x64x100xi32, #tpu.memory_space<hbm>>, %arg3: memref<1000000x128xf32, #tpu.memory_space<hbm>>, %arg4: memref<4096x50x128xf32, #tpu.memory_space<hbm>>, %arg5: memref<64x100xi32, #tpu.memory_space<vmem>>, %arg6: memref<100x128xf32, #tpu.memory_space<vmem>>, %arg7: memref<100x128xf32, #tpu.memory_space<vmem>>, %arg8: memref<!tpu.dma_semaphore, #tpu.memory_space<semaphore_mem>>, %arg9: memref<!tpu.dma_semaphore, #tpu.memory_space<semaphore_mem>>) attributes {dimension_semantics = [#tpu.dimension_semantics<core_parallel>, #tpu.dimension_semantics<subcore_parallel>], iteration_bounds = array<i64: 2, 16>, scalar_prefetch = 0 : i64, scratch_operands = 5 : i64, tpu.core_type = #tpu.core_type<sc_vector_subcore>, window_params = [{transform_indices = #map}, {transform_indices = #map1}, {transform_indices = #map}]} {
    %mul3A = arith.constant 2 : i32
    %mul3A_0 = arith.muli %arg1, %mul3A : i32
    %add3A = arith.addi %mul3A_0, %arg0 : i32
    %mul3A_1 = arith.constant 128 : i32
    %mul3A_2 = arith.muli %add3A, %mul3A_1 : i32
    "tpu.region"() ({
      %run_scoped3A = tpu.sem_alloc : memref<!tpu.dma_semaphore, #tpu.memory_space<semaphore_mem>>
      %dma_start3A_14 = arith.constant 0 : i32
      %dma_start3A_15 = arith.constant 0 : i32
      %dma_start3A_16 = tpu.memref_slice %arg2[%add3A, %dma_start3A_14, %dma_start3A_15] : memref<32x64x100xi32, #tpu.memory_space<hbm>> -> memref<1x64x100xi32, #tpu.memory_space<hbm>>
      %dma_start3A_17 = tpu.memref_squeeze %dma_start3A_16 : memref<1x64x100xi32, #tpu.memory_space<hbm>> -> memref<64x100xi32, #tpu.memory_space<hbm>>
      %dma_start3A_18 = arith.constant 0 : i32
      %dma_start3A_19 = arith.constant 0 : i32
      %dma_start3A_20 = tpu.memref_slice %arg2[%add3A, %dma_start3A_18, %dma_start3A_19] : memref<32x64x100xi32, #tpu.memory_space<hbm>> -> memref<1x64x100xi32, #tpu.memory_space<hbm>>
      %dma_start3A_21 = tpu.memref_squeeze %dma_start3A_20 : memref<1x64x100xi32, #tpu.memory_space<hbm>> -> memref<64x100xi32, #tpu.memory_space<hbm>>
      tpu.enqueue_dma source(%dma_start3A_21 : memref<64x100xi32, #tpu.memory_space<hbm>>) target(%arg5 : memref<64x100xi32, #tpu.memory_space<vmem>>) target_semaphore(%run_scoped3A : memref<!tpu.dma_semaphore, #tpu.memory_space<semaphore_mem>>)
      %dma_wait3A = arith.constant 0 : i32
      %dma_wait3A_22 = arith.constant 0 : i32
      %dma_wait3A_23 = tpu.memref_slice %arg2[%add3A, %dma_wait3A, %dma_wait3A_22] : memref<32x64x100xi32, #tpu.memory_space<hbm>> -> memref<1x64x100xi32, #tpu.memory_space<hbm>>
      %dma_wait3A_24 = tpu.memref_squeeze %dma_wait3A_23 : memref<1x64x100xi32, #tpu.memory_space<hbm>> -> memref<64x100xi32, #tpu.memory_space<hbm>>
      %dma_wait3A_25 = arith.constant 0 : i32
      %dma_wait3A_26 = arith.constant 0 : i32
      %dma_wait3A_27 = tpu.memref_slice %arg2[%add3A, %dma_wait3A_25, %dma_wait3A_26] : memref<32x64x100xi32, #tpu.memory_space<hbm>> -> memref<1x64x100xi32, #tpu.memory_space<hbm>>
      %dma_wait3A_28 = tpu.memref_squeeze %dma_wait3A_27 : memref<1x64x100xi32, #tpu.memory_space<hbm>> -> memref<64x100xi32, #tpu.memory_space<hbm>>
      tpu.wait_dma2 semaphore(%run_scoped3A : memref<!tpu.dma_semaphore, #tpu.memory_space<semaphore_mem>>) src(%dma_wait3A_28 : memref<64x100xi32, #tpu.memory_space<hbm>>) dst(%arg5 : memref<64x100xi32, #tpu.memory_space<vmem>>)
      tpu.yield
    }) : () -> ()
    %dma_start3A = arith.constant 0 : i32
    %dma_start3A_3 = arith.constant 0 : i32
    %dma_start3A_4 = tpu.memref_slice %arg5[%dma_start3A, %dma_start3A_3] : memref<64x100xi32, #tpu.memory_space<vmem>> -> memref<1x100xi32, #tpu.memory_space<vmem>>
    %dma_start3A_5 = tpu.memref_squeeze %dma_start3A_4 : memref<1x100xi32, #tpu.memory_space<vmem>> -> memref<100xi32, #tpu.memory_space<vmem>>
    %dma_start3A_6 = arith.constant 0 : i32
    %dma_start3A_7 = arith.constant 0 : i32
    %dma_start3A_8 = tpu.memref_slice %arg3[%dma_start3A_6, %dma_start3A_7] : memref<1000000x128xf32, #tpu.memory_space<hbm>> -> memref<1000000x128xf32, #tpu.memory_space<hbm>>
    tpu.enqueue_indirect_dma source(%dma_start3A_8 : memref<1000000x128xf32, #tpu.memory_space<hbm>>) target(%arg6 : memref<100x128xf32, #tpu.memory_space<vmem>>) offsets(%dma_start3A_5 : memref<100xi32, #tpu.memory_space<vmem>>) semaphore(%arg8 : memref<!tpu.dma_semaphore, #tpu.memory_space<semaphore_mem>>)
    %scan3A = arith.constant 0 : i32
    %scan3A_9 = arith.constant 0 : i32
    %scan3A_10 = arith.constant 64 : i32
    %scan3A_11 = arith.addi %scan3A_9, %scan3A_10 : i32
    %scan3A_12 = arith.constant 1 : i32
    scf.for %scan3A_14 = %scan3A_9 to %scan3A_11 step %scan3A_12  : i32 {
      %rem3A = arith.constant 2 : i32
      %rem3A_15 = arith.remsi %scan3A_14, %rem3A : i32
      %eq3A = arith.constant 0 : i32
      %eq3A_16 = arith.cmpi eq, %rem3A_15, %eq3A : i32
      %add3A_17 = arith.constant 1 : i32
      %add3A_18 = arith.addi %scan3A_14, %add3A_17 : i32
      %lt3A = arith.constant 64 : i32
      %lt3A_19 = arith.cmpi slt, %add3A_18, %lt3A : i32
      %convert_element_type3A = arith.extui %lt3A_19 : i1 to i32
      %cond3A = arith.constant 0 : i32
      %cond3A_20 = arith.cmpi ne, %convert_element_type3A, %cond3A : i32
      scf.if %cond3A_20 {
        %convert_element_type3A_28 = arith.extui %eq3A_16 : i1 to i32
        %cond3A_29 = arith.constant 0 : i32
        %cond3A_30 = arith.cmpi ne, %convert_element_type3A_28, %cond3A_29 : i32
        scf.if %cond3A_30 {
          %add3A_36 = arith.constant 1 : i32
          %add3A_37 = arith.addi %scan3A_14, %add3A_36 : i32
          %dma_start3A_38 = arith.constant 0 : i32
          %dma_start3A_39 = tpu.memref_slice %arg5[%add3A_37, %dma_start3A_38] : memref<64x100xi32, #tpu.memory_space<vmem>> -> memref<1x100xi32, #tpu.memory_space<vmem>>
          %dma_start3A_40 = tpu.memref_squeeze %dma_start3A_39 : memref<1x100xi32, #tpu.memory_space<vmem>> -> memref<100xi32, #tpu.memory_space<vmem>>
          %dma_start3A_41 = arith.constant 0 : i32
          %dma_start3A_42 = arith.constant 0 : i32
          %dma_start3A_43 = tpu.memref_slice %arg3[%dma_start3A_41, %dma_start3A_42] : memref<1000000x128xf32, #tpu.memory_space<hbm>> -> memref<1000000x128xf32, #tpu.memory_space<hbm>>
          tpu.enqueue_indirect_dma source(%dma_start3A_43 : memref<1000000x128xf32, #tpu.memory_space<hbm>>) target(%arg7 : memref<100x128xf32, #tpu.memory_space<vmem>>) offsets(%dma_start3A_40 : memref<100xi32, #tpu.memory_space<vmem>>) semaphore(%arg9 : memref<!tpu.dma_semaphore, #tpu.memory_space<semaphore_mem>>)
        } else {
        }
        %not3A_31 = arith.constant true
        %not3A_32 = arith.xori %eq3A_16, %not3A_31 : i1
        %convert_element_type3A_33 = arith.extui %not3A_32 : i1 to i32
        %cond3A_34 = arith.constant 0 : i32
        %cond3A_35 = arith.cmpi ne, %convert_element_type3A_33, %cond3A_34 : i32
        scf.if %cond3A_35 {
          %add3A_36 = arith.constant 1 : i32
          %add3A_37 = arith.addi %scan3A_14, %add3A_36 : i32
          %dma_start3A_38 = arith.constant 0 : i32
          %dma_start3A_39 = tpu.memref_slice %arg5[%add3A_37, %dma_start3A_38] : memref<64x100xi32, #tpu.memory_space<vmem>> -> memref<1x100xi32, #tpu.memory_space<vmem>>
          %dma_start3A_40 = tpu.memref_squeeze %dma_start3A_39 : memref<1x100xi32, #tpu.memory_space<vmem>> -> memref<100xi32, #tpu.memory_space<vmem>>
          %dma_start3A_41 = arith.constant 0 : i32
          %dma_start3A_42 = arith.constant 0 : i32
          %dma_start3A_43 = tpu.memref_slice %arg3[%dma_start3A_41, %dma_start3A_42] : memref<1000000x128xf32, #tpu.memory_space<hbm>> -> memref<1000000x128xf32, #tpu.memory_space<hbm>>
          tpu.enqueue_indirect_dma source(%dma_start3A_43 : memref<1000000x128xf32, #tpu.memory_space<hbm>>) target(%arg6 : memref<100x128xf32, #tpu.memory_space<vmem>>) offsets(%dma_start3A_40 : memref<100xi32, #tpu.memory_space<vmem>>) semaphore(%arg8 : memref<!tpu.dma_semaphore, #tpu.memory_space<semaphore_mem>>)
        } else {
        }
      } else {
      }
      %convert_element_type3A_21 = arith.extui %eq3A_16 : i1 to i32
      %cond3A_22 = arith.constant 0 : i32
      %cond3A_23 = arith.cmpi ne, %convert_element_type3A_21, %cond3A_22 : i32
      scf.if %cond3A_23 {
        %dma_wait3A = arith.constant 0 : i32
        %dma_wait3A_28 = tpu.memref_slice %arg5[%scan3A_14, %dma_wait3A] : memref<64x100xi32, #tpu.memory_space<vmem>> -> memref<1x100xi32, #tpu.memory_space<vmem>>
        %dma_wait3A_29 = tpu.memref_squeeze %dma_wait3A_28 : memref<1x100xi32, #tpu.memory_space<vmem>> -> memref<100xi32, #tpu.memory_space<vmem>>
        %dma_wait3A_30 = arith.constant 0 : i32
        %dma_wait3A_31 = arith.constant 0 : i32
        %dma_wait3A_32 = tpu.memref_slice %arg3[%dma_wait3A_30, %dma_wait3A_31] : memref<1000000x128xf32, #tpu.memory_space<hbm>> -> memref<1000000x128xf32, #tpu.memory_space<hbm>>
        tpu.wait_indirect_dma semaphore(%arg8 : memref<!tpu.dma_semaphore, #tpu.memory_space<semaphore_mem>>) src(%dma_wait3A_32 : memref<1000000x128xf32, #tpu.memory_space<hbm>>) dst(%arg6 : memref<100x128xf32, #tpu.memory_space<vmem>>)
        %mul3A_33 = arith.constant 2 : i32
        %mul3A_34 = arith.muli %mul3A_33, %scan3A_14 : i32
        %add3A_35 = arith.addi %mul3A_2, %mul3A_34 : i32
        "tpu.region"() ({
          %run_scoped3A = tpu.sem_alloc : memref<!tpu.dma_semaphore, #tpu.memory_space<semaphore_mem>>
          %dma_start3A_38 = arith.constant 0 : i32
          %dma_start3A_39 = arith.constant 0 : i32
          %dma_start3A_40 = tpu.memref_slice %arg6[%dma_start3A_38, %dma_start3A_39] : memref<100x128xf32, #tpu.memory_space<vmem>> -> memref<50x128xf32, #tpu.memory_space<vmem>>
          %dma_start3A_41 = arith.constant 0 : i32
          %dma_start3A_42 = arith.constant 0 : i32
          %dma_start3A_43 = tpu.memref_slice %arg4[%add3A_35, %dma_start3A_41, %dma_start3A_42] : memref<4096x50x128xf32, #tpu.memory_space<hbm>> -> memref<1x50x128xf32, #tpu.memory_space<hbm>>
          %dma_start3A_44 = tpu.memref_squeeze %dma_start3A_43 : memref<1x50x128xf32, #tpu.memory_space<hbm>> -> memref<50x128xf32, #tpu.memory_space<hbm>>
          %dma_start3A_45 = arith.constant 0 : i32
          %dma_start3A_46 = arith.constant 0 : i32
          %dma_start3A_47 = tpu.memref_slice %arg4[%add3A_35, %dma_start3A_45, %dma_start3A_46] : memref<4096x50x128xf32, #tpu.memory_space<hbm>> -> memref<1x50x128xf32, #tpu.memory_space<hbm>>
          %dma_start3A_48 = tpu.memref_squeeze %dma_start3A_47 : memref<1x50x128xf32, #tpu.memory_space<hbm>> -> memref<50x128xf32, #tpu.memory_space<hbm>>
          %dma_start3A_49 = arith.constant 0 : i32
          %dma_start3A_50 = arith.constant 0 : i32
          %dma_start3A_51 = tpu.memref_slice %arg6[%dma_start3A_49, %dma_start3A_50] : memref<100x128xf32, #tpu.memory_space<vmem>> -> memref<50x128xf32, #tpu.memory_space<vmem>>
          tpu.enqueue_dma source(%dma_start3A_51 : memref<50x128xf32, #tpu.memory_space<vmem>>) target(%dma_start3A_48 : memref<50x128xf32, #tpu.memory_space<hbm>>) target_semaphore(%run_scoped3A : memref<!tpu.dma_semaphore, #tpu.memory_space<semaphore_mem>>)
          %dma_wait3A_52 = arith.constant 0 : i32
          %dma_wait3A_53 = arith.constant 0 : i32
          %dma_wait3A_54 = tpu.memref_slice %arg6[%dma_wait3A_52, %dma_wait3A_53] : memref<100x128xf32, #tpu.memory_space<vmem>> -> memref<50x128xf32, #tpu.memory_space<vmem>>
          %dma_wait3A_55 = arith.constant 0 : i32
          %dma_wait3A_56 = arith.constant 0 : i32
          %dma_wait3A_57 = tpu.memref_slice %arg4[%add3A_35, %dma_wait3A_55, %dma_wait3A_56] : memref<4096x50x128xf32, #tpu.memory_space<hbm>> -> memref<1x50x128xf32, #tpu.memory_space<hbm>>
          %dma_wait3A_58 = tpu.memref_squeeze %dma_wait3A_57 : memref<1x50x128xf32, #tpu.memory_space<hbm>> -> memref<50x128xf32, #tpu.memory_space<hbm>>
          %dma_wait3A_59 = arith.constant 0 : i32
          %dma_wait3A_60 = arith.constant 0 : i32
          %dma_wait3A_61 = tpu.memref_slice %arg4[%add3A_35, %dma_wait3A_59, %dma_wait3A_60] : memref<4096x50x128xf32, #tpu.memory_space<hbm>> -> memref<1x50x128xf32, #tpu.memory_space<hbm>>
          %dma_wait3A_62 = tpu.memref_squeeze %dma_wait3A_61 : memref<1x50x128xf32, #tpu.memory_space<hbm>> -> memref<50x128xf32, #tpu.memory_space<hbm>>
          %dma_wait3A_63 = arith.constant 0 : i32
          %dma_wait3A_64 = arith.constant 0 : i32
          %dma_wait3A_65 = tpu.memref_slice %arg6[%dma_wait3A_63, %dma_wait3A_64] : memref<100x128xf32, #tpu.memory_space<vmem>> -> memref<50x128xf32, #tpu.memory_space<vmem>>
          tpu.wait_dma2 semaphore(%run_scoped3A : memref<!tpu.dma_semaphore, #tpu.memory_space<semaphore_mem>>) src(%dma_wait3A_65 : memref<50x128xf32, #tpu.memory_space<vmem>>) dst(%dma_wait3A_62 : memref<50x128xf32, #tpu.memory_space<hbm>>)
          tpu.yield
        }) : () -> ()
        %add3A_36 = arith.constant 1 : i32
        %add3A_37 = arith.addi %add3A_35, %add3A_36 : i32
        "tpu.region"() ({
          %run_scoped3A = tpu.sem_alloc : memref<!tpu.dma_semaphore, #tpu.memory_space<semaphore_mem>>
          %dma_start3A_38 = arith.constant 50 : i32
          %dma_start3A_39 = arith.constant 0 : i32
          %dma_start3A_40 = tpu.memref_slice %arg6[%dma_start3A_38, %dma_start3A_39] : memref<100x128xf32, #tpu.memory_space<vmem>> -> memref<50x128xf32, #tpu.memory_space<vmem>>
          %dma_start3A_41 = arith.constant 0 : i32
          %dma_start3A_42 = arith.constant 0 : i32
          %dma_start3A_43 = tpu.memref_slice %arg4[%add3A_37, %dma_start3A_41, %dma_start3A_42] : memref<4096x50x128xf32, #tpu.memory_space<hbm>> -> memref<1x50x128xf32, #tpu.memory_space<hbm>>
          %dma_start3A_44 = tpu.memref_squeeze %dma_start3A_43 : memref<1x50x128xf32, #tpu.memory_space<hbm>> -> memref<50x128xf32, #tpu.memory_space<hbm>>
          %dma_start3A_45 = arith.constant 0 : i32
          %dma_start3A_46 = arith.constant 0 : i32
          %dma_start3A_47 = tpu.memref_slice %arg4[%add3A_37, %dma_start3A_45, %dma_start3A_46] : memref<4096x50x128xf32, #tpu.memory_space<hbm>> -> memref<1x50x128xf32, #tpu.memory_space<hbm>>
          %dma_start3A_48 = tpu.memref_squeeze %dma_start3A_47 : memref<1x50x128xf32, #tpu.memory_space<hbm>> -> memref<50x128xf32, #tpu.memory_space<hbm>>
          %dma_start3A_49 = arith.constant 50 : i32
          %dma_start3A_50 = arith.constant 0 : i32
          %dma_start3A_51 = tpu.memref_slice %arg6[%dma_start3A_49, %dma_start3A_50] : memref<100x128xf32, #tpu.memory_space<vmem>> -> memref<50x128xf32, #tpu.memory_space<vmem>>
          tpu.enqueue_dma source(%dma_start3A_51 : memref<50x128xf32, #tpu.memory_space<vmem>>) target(%dma_start3A_48 : memref<50x128xf32, #tpu.memory_space<hbm>>) target_semaphore(%run_scoped3A : memref<!tpu.dma_semaphore, #tpu.memory_space<semaphore_mem>>)
          %dma_wait3A_52 = arith.constant 50 : i32
          %dma_wait3A_53 = arith.constant 0 : i32
          %dma_wait3A_54 = tpu.memref_slice %arg6[%dma_wait3A_52, %dma_wait3A_53] : memref<100x128xf32, #tpu.memory_space<vmem>> -> memref<50x128xf32, #tpu.memory_space<vmem>>
          %dma_wait3A_55 = arith.constant 0 : i32
          %dma_wait3A_56 = arith.constant 0 : i32
          %dma_wait3A_57 = tpu.memref_slice %arg4[%add3A_37, %dma_wait3A_55, %dma_wait3A_56] : memref<4096x50x128xf32, #tpu.memory_space<hbm>> -> memref<1x50x128xf32, #tpu.memory_space<hbm>>
          %dma_wait3A_58 = tpu.memref_squeeze %dma_wait3A_57 : memref<1x50x128xf32, #tpu.memory_space<hbm>> -> memref<50x128xf32, #tpu.memory_space<hbm>>
          %dma_wait3A_59 = arith.constant 0 : i32
          %dma_wait3A_60 = arith.constant 0 : i32
          %dma_wait3A_61 = tpu.memref_slice %arg4[%add3A_37, %dma_wait3A_59, %dma_wait3A_60] : memref<4096x50x128xf32, #tpu.memory_space<hbm>> -> memref<1x50x128xf32, #tpu.memory_space<hbm>>
          %dma_wait3A_62 = tpu.memref_squeeze %dma_wait3A_61 : memref<1x50x128xf32, #tpu.memory_space<hbm>> -> memref<50x128xf32, #tpu.memory_space<hbm>>
          %dma_wait3A_63 = arith.constant 50 : i32
          %dma_wait3A_64 = arith.constant 0 : i32
          %dma_wait3A_65 = tpu.memref_slice %arg6[%dma_wait3A_63, %dma_wait3A_64] : memref<100x128xf32, #tpu.memory_space<vmem>> -> memref<50x128xf32, #tpu.memory_space<vmem>>
          tpu.wait_dma2 semaphore(%run_scoped3A : memref<!tpu.dma_semaphore, #tpu.memory_space<semaphore_mem>>) src(%dma_wait3A_65 : memref<50x128xf32, #tpu.memory_space<vmem>>) dst(%dma_wait3A_62 : memref<50x128xf32, #tpu.memory_space<hbm>>)
          tpu.yield
        }) : () -> ()
      } else {
      }
      %not3A = arith.constant true
      %not3A_24 = arith.xori %eq3A_16, %not3A : i1
      %convert_element_type3A_25 = arith.extui %not3A_24 : i1 to i32
      %cond3A_26 = arith.constant 0 : i32
      %cond3A_27 = arith.cmpi ne, %convert_element_type3A_25, %cond3A_26 : i32
      scf.if %cond3A_27 {
        %dma_wait3A = arith.constant 0 : i32
        %dma_wait3A_28 = tpu.memref_slice %arg5[%scan3A_14, %dma_wait3A] : memref<64x100xi32, #tpu.memory_space<vmem>> -> memref<1x100xi32, #tpu.memory_space<vmem>>
        %dma_wait3A_29 = tpu.memref_squeeze %dma_wait3A_28 : memref<1x100xi32, #tpu.memory_space<vmem>> -> memref<100xi32, #tpu.memory_space<vmem>>
        %dma_wait3A_30 = arith.constant 0 : i32
        %dma_wait3A_31 = arith.constant 0 : i32
        %dma_wait3A_32 = tpu.memref_slice %arg3[%dma_wait3A_30, %dma_wait3A_31] : memref<1000000x128xf32, #tpu.memory_space<hbm>> -> memref<1000000x128xf32, #tpu.memory_space<hbm>>
        tpu.wait_indirect_dma semaphore(%arg9 : memref<!tpu.dma_semaphore, #tpu.memory_space<semaphore_mem>>) src(%dma_wait3A_32 : memref<1000000x128xf32, #tpu.memory_space<hbm>>) dst(%arg7 : memref<100x128xf32, #tpu.memory_space<vmem>>)
        %mul3A_33 = arith.constant 2 : i32
        %mul3A_34 = arith.muli %mul3A_33, %scan3A_14 : i32
        %add3A_35 = arith.addi %mul3A_2, %mul3A_34 : i32
        "tpu.region"() ({
          %run_scoped3A = tpu.sem_alloc : memref<!tpu.dma_semaphore, #tpu.memory_space<semaphore_mem>>
          %dma_start3A_38 = arith.constant 0 : i32
          %dma_start3A_39 = arith.constant 0 : i32
          %dma_start3A_40 = tpu.memref_slice %arg7[%dma_start3A_38, %dma_start3A_39] : memref<100x128xf32, #tpu.memory_space<vmem>> -> memref<50x128xf32, #tpu.memory_space<vmem>>
          %dma_start3A_41 = arith.constant 0 : i32
          %dma_start3A_42 = arith.constant 0 : i32
          %dma_start3A_43 = tpu.memref_slice %arg4[%add3A_35, %dma_start3A_41, %dma_start3A_42] : memref<4096x50x128xf32, #tpu.memory_space<hbm>> -> memref<1x50x128xf32, #tpu.memory_space<hbm>>
          %dma_start3A_44 = tpu.memref_squeeze %dma_start3A_43 : memref<1x50x128xf32, #tpu.memory_space<hbm>> -> memref<50x128xf32, #tpu.memory_space<hbm>>
          %dma_start3A_45 = arith.constant 0 : i32
          %dma_start3A_46 = arith.constant 0 : i32
          %dma_start3A_47 = tpu.memref_slice %arg4[%add3A_35, %dma_start3A_45, %dma_start3A_46] : memref<4096x50x128xf32, #tpu.memory_space<hbm>> -> memref<1x50x128xf32, #tpu.memory_space<hbm>>
          %dma_start3A_48 = tpu.memref_squeeze %dma_start3A_47 : memref<1x50x128xf32, #tpu.memory_space<hbm>> -> memref<50x128xf32, #tpu.memory_space<hbm>>
          %dma_start3A_49 = arith.constant 0 : i32
          %dma_start3A_50 = arith.constant 0 : i32
          %dma_start3A_51 = tpu.memref_slice %arg7[%dma_start3A_49, %dma_start3A_50] : memref<100x128xf32, #tpu.memory_space<vmem>> -> memref<50x128xf32, #tpu.memory_space<vmem>>
          tpu.enqueue_dma source(%dma_start3A_51 : memref<50x128xf32, #tpu.memory_space<vmem>>) target(%dma_start3A_48 : memref<50x128xf32, #tpu.memory_space<hbm>>) target_semaphore(%run_scoped3A : memref<!tpu.dma_semaphore, #tpu.memory_space<semaphore_mem>>)
          %dma_wait3A_52 = arith.constant 0 : i32
          %dma_wait3A_53 = arith.constant 0 : i32
          %dma_wait3A_54 = tpu.memref_slice %arg7[%dma_wait3A_52, %dma_wait3A_53] : memref<100x128xf32, #tpu.memory_space<vmem>> -> memref<50x128xf32, #tpu.memory_space<vmem>>
          %dma_wait3A_55 = arith.constant 0 : i32
          %dma_wait3A_56 = arith.constant 0 : i32
          %dma_wait3A_57 = tpu.memref_slice %arg4[%add3A_35, %dma_wait3A_55, %dma_wait3A_56] : memref<4096x50x128xf32, #tpu.memory_space<hbm>> -> memref<1x50x128xf32, #tpu.memory_space<hbm>>
          %dma_wait3A_58 = tpu.memref_squeeze %dma_wait3A_57 : memref<1x50x128xf32, #tpu.memory_space<hbm>> -> memref<50x128xf32, #tpu.memory_space<hbm>>
          %dma_wait3A_59 = arith.constant 0 : i32
          %dma_wait3A_60 = arith.constant 0 : i32
          %dma_wait3A_61 = tpu.memref_slice %arg4[%add3A_35, %dma_wait3A_59, %dma_wait3A_60] : memref<4096x50x128xf32, #tpu.memory_space<hbm>> -> memref<1x50x128xf32, #tpu.memory_space<hbm>>
          %dma_wait3A_62 = tpu.memref_squeeze %dma_wait3A_61 : memref<1x50x128xf32, #tpu.memory_space<hbm>> -> memref<50x128xf32, #tpu.memory_space<hbm>>
          %dma_wait3A_63 = arith.constant 0 : i32
          %dma_wait3A_64 = arith.constant 0 : i32
          %dma_wait3A_65 = tpu.memref_slice %arg7[%dma_wait3A_63, %dma_wait3A_64] : memref<100x128xf32, #tpu.memory_space<vmem>> -> memref<50x128xf32, #tpu.memory_space<vmem>>
          tpu.wait_dma2 semaphore(%run_scoped3A : memref<!tpu.dma_semaphore, #tpu.memory_space<semaphore_mem>>) src(%dma_wait3A_65 : memref<50x128xf32, #tpu.memory_space<vmem>>) dst(%dma_wait3A_62 : memref<50x128xf32, #tpu.memory_space<hbm>>)
          tpu.yield
        }) : () -> ()
        %add3A_36 = arith.constant 1 : i32
        %add3A_37 = arith.addi %add3A_35, %add3A_36 : i32
        "tpu.region"() ({
          %run_scoped3A = tpu.sem_alloc : memref<!tpu.dma_semaphore, #tpu.memory_space<semaphore_mem>>
          %dma_start3A_38 = arith.constant 50 : i32
          %dma_start3A_39 = arith.constant 0 : i32
          %dma_start3A_40 = tpu.memref_slice %arg7[%dma_start3A_38, %dma_start3A_39] : memref<100x128xf32, #tpu.memory_space<vmem>> -> memref<50x128xf32, #tpu.memory_space<vmem>>
          %dma_start3A_41 = arith.constant 0 : i32
          %dma_start3A_42 = arith.constant 0 : i32
          %dma_start3A_43 = tpu.memref_slice %arg4[%add3A_37, %dma_start3A_41, %dma_start3A_42] : memref<4096x50x128xf32, #tpu.memory_space<hbm>> -> memref<1x50x128xf32, #tpu.memory_space<hbm>>
          %dma_start3A_44 = tpu.memref_squeeze %dma_start3A_43 : memref<1x50x128xf32, #tpu.memory_space<hbm>> -> memref<50x128xf32, #tpu.memory_space<hbm>>
          %dma_start3A_45 = arith.constant 0 : i32
          %dma_start3A_46 = arith.constant 0 : i32
          %dma_start3A_47 = tpu.memref_slice %arg4[%add3A_37, %dma_start3A_45, %dma_start3A_46] : memref<4096x50x128xf32, #tpu.memory_space<hbm>> -> memref<1x50x128xf32, #tpu.memory_space<hbm>>
          %dma_start3A_48 = tpu.memref_squeeze %dma_start3A_47 : memref<1x50x128xf32, #tpu.memory_space<hbm>> -> memref<50x128xf32, #tpu.memory_space<hbm>>
          %dma_start3A_49 = arith.constant 50 : i32
          %dma_start3A_50 = arith.constant 0 : i32
          %dma_start3A_51 = tpu.memref_slice %arg7[%dma_start3A_49, %dma_start3A_50] : memref<100x128xf32, #tpu.memory_space<vmem>> -> memref<50x128xf32, #tpu.memory_space<vmem>>
          tpu.enqueue_dma source(%dma_start3A_51 : memref<50x128xf32, #tpu.memory_space<vmem>>) target(%dma_start3A_48 : memref<50x128xf32, #tpu.memory_space<hbm>>) target_semaphore(%run_scoped3A : memref<!tpu.dma_semaphore, #tpu.memory_space<semaphore_mem>>)
          %dma_wait3A_52 = arith.constant 50 : i32
          %dma_wait3A_53 = arith.constant 0 : i32
          %dma_wait3A_54 = tpu.memref_slice %arg7[%dma_wait3A_52, %dma_wait3A_53] : memref<100x128xf32, #tpu.memory_space<vmem>> -> memref<50x128xf32, #tpu.memory_space<vmem>>
          %dma_wait3A_55 = arith.constant 0 : i32
          %dma_wait3A_56 = arith.constant 0 : i32
          %dma_wait3A_57 = tpu.memref_slice %arg4[%add3A_37, %dma_wait3A_55, %dma_wait3A_56] : memref<4096x50x128xf32, #tpu.memory_space<hbm>> -> memref<1x50x128xf32, #tpu.memory_space<hbm>>
          %dma_wait3A_58 = tpu.memref_squeeze %dma_wait3A_57 : memref<1x50x128xf32, #tpu.memory_space<hbm>> -> memref<50x128xf32, #tpu.memory_space<hbm>>
          %dma_wait3A_59 = arith.constant 0 : i32
          %dma_wait3A_60 = arith.constant 0 : i32
          %dma_wait3A_61 = tpu.memref_slice %arg4[%add3A_37, %dma_wait3A_59, %dma_wait3A_60] : memref<4096x50x128xf32, #tpu.memory_space<hbm>> -> memref<1x50x128xf32, #tpu.memory_space<hbm>>
          %dma_wait3A_62 = tpu.memref_squeeze %dma_wait3A_61 : memref<1x50x128xf32, #tpu.memory_space<hbm>> -> memref<50x128xf32, #tpu.memory_space<hbm>>
          %dma_wait3A_63 = arith.constant 50 : i32
          %dma_wait3A_64 = arith.constant 0 : i32
          %dma_wait3A_65 = tpu.memref_slice %arg7[%dma_wait3A_63, %dma_wait3A_64] : memref<100x128xf32, #tpu.memory_space<vmem>> -> memref<50x128xf32, #tpu.memory_space<vmem>>
          tpu.wait_dma2 semaphore(%run_scoped3A : memref<!tpu.dma_semaphore, #tpu.memory_space<semaphore_mem>>) src(%dma_wait3A_65 : memref<50x128xf32, #tpu.memory_space<vmem>>) dst(%dma_wait3A_62 : memref<50x128xf32, #tpu.memory_space<hbm>>)
          tpu.yield
        }) : () -> ()
      } else {
      }
    }
    %scan3A_13 = arith.constant 64 : i32
    return
  }
}

module attributes {stable_mosaic.version = 14 : i64} {
  func.func @proj(%arg0: i32, %arg1: memref<64x8192xf32, #tpu.memory_space<vmem>>, %arg2: memref<64x128xf32, #tpu.memory_space<vmem>>, %arg3: memref<1x128xf32, #tpu.memory_space<vmem>>, %arg4: memref<8192x128xf32, #tpu.memory_space<vmem>>) attributes {dimension_semantics = [#tpu.dimension_semantics<arbitrary>], iteration_bounds = array<i64: 123>, scalar_prefetch = 0 : i64, scratch_operands = 0 : i64, tpu.core_type = #tpu.core_type<tc>, window_params = [{transform_indices = @transform_0, window_bounds = array<i64: 64, 8192>}, {pipeline_mode = #tpu.pipeline_mode<synchronous>, transform_indices = @transform_1, window_bounds = array<i64: 64, 128>}, {pipeline_mode = #tpu.pipeline_mode<synchronous>, transform_indices = @transform_2, window_bounds = array<i64: 1, 128>}, {transform_indices = @transform_3, window_bounds = array<i64: 8192, 128>}]} {
    %get3A = arith.constant 0 : index
    %get3A_0 = arith.constant 0 : index
    %get3A_1 = vector.load %arg1[%get3A, %get3A_0] : memref<64x8192xf32, #tpu.memory_space<vmem>>, vector<64x8192xf32>
    %get3A_2 = arith.constant 0 : index
    %get3A_3 = arith.constant 0 : index
    %get3A_4 = vector.load %arg2[%get3A_2, %get3A_3] : memref<64x128xf32, #tpu.memory_space<vmem>>, vector<64x128xf32>
    %dot_general3A = arith.constant dense<0.000000e+00> : vector<8192x128xf32>
    %dot_general3A_5 = tpu.matmul %get3A_1, %get3A_4, %dot_general3A {dimension_numbers = #tpu.dot_dimension_numbers<[0], [0], [1], [1], [0, 1, 1, 1], [], []>, transpose_lhs_hint = false} : vector<64x8192xf32>, vector<64x128xf32>, vector<8192x128xf32> -> vector<8192x128xf32>
    %get3A_6 = arith.constant 0 : index
    %get3A_7 = arith.constant 0 : index
    %get3A_8 = vector.load %arg3[%get3A_6, %get3A_7] : memref<1x128xf32, #tpu.memory_space<vmem>>, vector<1x128xf32>
    %add3A = vector.broadcast %get3A_8 : vector<1x128xf32> to vector<8192x128xf32>
    %add3A_9 = arith.addf %dot_general3A_5, %add3A : vector<8192x128xf32>
    %swap3A = arith.constant 0 : index
    %swap3A_10 = arith.constant 0 : index
    %swap3A_11 = vector.load %arg4[%swap3A, %swap3A_10] : memref<8192x128xf32, #tpu.memory_space<vmem>>, vector<8192x128xf32>
    tpu.vector_store %arg4[%swap3A, %swap3A_10], %add3A_9 {strides = array<i32>} : memref<8192x128xf32, #tpu.memory_space<vmem>>, vector<8192x128xf32>,
    return
  }
  func.func @transform_0(%arg0: i32) -> (i32, i32) {
    %c0_i32 = arith.constant 0 : i32
    %c0_i32_0 = arith.constant 0 : i32
    return %c0_i32, %arg0 : i32, i32
  }
  func.func @transform_1(%arg0: i32) -> (i32, i32) {
    %c0_i32 = arith.constant 0 : i32
    %c0_i32_0 = arith.constant 0 : i32
    %c0_i32_1 = arith.constant 0 : i32
    return %c0_i32, %c0_i32_0 : i32, i32
  }
  func.func @transform_2(%arg0: i32) -> (i32, i32) {
    %c0_i32 = arith.constant 0 : i32
    %c0_i32_0 = arith.constant 0 : i32
    %c0_i32_1 = arith.constant 0 : i32
    return %c0_i32, %c0_i32_0 : i32, i32
  }
  func.func @transform_3(%arg0: i32) -> (i32, i32) {
    %c0_i32 = arith.constant 0 : i32
    %c0_i32_0 = arith.constant 0 : i32
    return %arg0, %c0_i32 : i32, i32
  }
}

module attributes {stable_mosaic.version = 14 : i64} {
  func.func @up(%arg0: i32, %arg1: memref<64x50x128xf32, #tpu.memory_space<vmem>>, %arg2: memref<64x50x64xf32, #tpu.memory_space<vmem>>) attributes {dimension_semantics = [#tpu.dimension_semantics<arbitrary>], iteration_bounds = array<i64: 64>, scalar_prefetch = 0 : i64, scratch_operands = 0 : i64, tpu.core_type = #tpu.core_type<tc>, window_params = [{transform_indices = @transform_0, window_bounds = array<i64: 64, 50, 128>}, {transform_indices = @transform_1, window_bounds = array<i64: 64, 50, 64>}]} {
    %get3A = arith.constant 0 : index
    %get3A_0 = arith.constant 0 : index
    %get3A_1 = arith.constant 0 : index
    %get3A_2 = vector.load %arg1[%get3A, %get3A_0, %get3A_1] : memref<64x50x128xf32, #tpu.memory_space<vmem>>, vector<64x50x64xf32>
    %swap3A = arith.constant 0 : index
    %swap3A_3 = arith.constant 0 : index
    %swap3A_4 = arith.constant 0 : index
    %swap3A_5 = vector.load %arg2[%swap3A, %swap3A_3, %swap3A_4] : memref<64x50x64xf32, #tpu.memory_space<vmem>>, vector<64x50x64xf32>
    tpu.vector_store %arg2[%swap3A, %swap3A_3, %swap3A_4], %get3A_2 {strides = array<i32>} : memref<64x50x64xf32, #tpu.memory_space<vmem>>, vector<64x50x64xf32>,
    return
  }
  func.func @transform_0(%arg0: i32) -> (i32, i32, i32) {
    %c0_i32 = arith.constant 0 : i32
    %c0_i32_0 = arith.constant 0 : i32
    %c0_i32_1 = arith.constant 0 : i32
    return %arg0, %c0_i32, %c0_i32_0 : i32, i32, i32
  }
  func.func @transform_1(%arg0: i32) -> (i32, i32, i32) {
    %c0_i32 = arith.constant 0 : i32
    %c0_i32_0 = arith.constant 0 : i32
    %c0_i32_1 = arith.constant 0 : i32
    return %arg0, %c0_i32, %c0_i32_0 : i32, i32, i32
  }
}

</mosaic_0001>

<sc_bundles>
// kernel: kernel.5.cloned.1.call-start
scs
__scs_entry_jumppad:
0x0: {  	(pc) =	sbr.rel $0x88, $3  }
0x1: {  	(tag) =	ssettag $0x0;
	lr =	simm.s32 $0x1  }
0x2: {  	[smem:$0x3F9D] =	sst lr;
	_ =	strace $0xD0000000  }
0x3: {  	_ = 	snop  }
0x4: {  	_ = 	snop  }
0x5: {  	_ = 	snop  }
0x6: {  	_ = 	snop  }
0x7: {  	_ = 	snop  }
__scs_overlays_trampoline_lowered:
0x8: {  	[smem:$0x3FAC] =	sst s0  }
0x9: {  	[smem:$0x3FAD] =	sst s1  }
0xa: {  	[smem:$0x3FAE] =	sst s2  }
0xb: {  	[smem:$0x3FAF] =	sst s3  }
0xc: {  	[smem:$0x3FB0] =	sst s4  }
0xd: {  	[smem:$0x3FB1] =	sst s5  }
0xe: {  	[smem:$0x3FB2] =	sst s6  }
0xf: {  	[smem:$0x3FB3] =	sst s7  }
0x10: {  	[smem:$0x3FB4] =	sst s8  }
0x11: {  	[smem:$0x3FB5] =	sst s9;
	s0 =	simm.s32 @!p0 $0x0  }
0x12: {  	s1 =	sld [smem:$0x3F9B];
	s0 =	simm.s32 @p0 $0x1  }
0x13: {  	[smem:$0x3FB6] =	sst s0;
	s0 =	simm.s32 @!p1 $0x0  }
0x14: {  	s2 =	sld [smem:$0x3F9A];
	s0 =	simm.s32 @p1 $0x1  }
0x15: {  	[smem:$0x3FB7] =	sst s0;
	s0 =	simm.s32 @!p2 $0x0  }
0x16: {  	s3 =	sld [smem:$0x3FDB];
	s0 =	simm.s32 @p2 $0x1  }
0x17: {  	s4 =	simm.s32 $0x1BF5;
	[smem:$0x3FB9] =	sst s0  }
0x18: {  	s0 =	sld [smem:$0x3F9C];
	_ =	swait.ge [sflag:s4], $0x0  }
0x19: {  	s7 =	sld [smem:$0x3F9D]  }
0x1a: {  	s8 =	sadd.s32 $0xFFFFE003, lr  }
0x1b: {  	s9 =	sadd.s32 $0xFFFFFEF7, lr;
	s5 =	simm.s32 $0xFFFFFFFF;
	p2 =	slt.u32 s8, $0xFFFFF086  }
0x1c: {  	p1 =	slt.u32 s9, $0xF7A;
	s5 =	simm.s32 @!p2 $0x0  }
0x1d: {  	s5 =	simm.s32 @p1 $0x1;
	p0 =	seq.s32 s7, s2  }
0x1e: {  	s7 =	smul.u32 @!p0 $0xF7A, s2;
	p2 =	seq.s32 @!p0 s5, $0x0  }
0x1f: {  	s9 =	smul.u32 $0xF7A, s1;
	s8 =	simm.s32 @!p0 $0x1BF5;
	p2 =	por !p2, p0  }
0x20: {  	[sflag:s8] =	ssyncset.s32 @!p0 $0xFFFFF086;
	s6 =	sadd.s32 @!p0 s3, s7;
	s7 =	simm.s32 @!p0 $0x108  }
0x21: {  	s3 =	sadd.s32 s3, s9;
	s6 =	sadd.s32 @!p0 $0x88, s6;
	s7 =	simm.s32 @p2 $0x1082  }
0x22: {  	[simem:s7], [sflag:s8] =	dma.local @!p0 [hbm:s6], $0xF7A  }
0x23: {  	s9 =	sor.u32 $0xD0000000, s2;
	s6 =	simm.s32 $0x108;
	_ =	swait.ge @!p0 [sflag:s8], $0x0  }
0x24: {  	s3 =	sadd.s32 $0x88, s3;
	s6 =	simm.s32 @!p1 $0x1082;
	[sflag:s4] =	ssyncset.s32 $0xFFFFF086  }
0x25: {  	[simem:s6], [sflag:s4] =	dma.local [hbm:s3], $0xF7A  }
0x26: {  	[smem:$0x3F9D] =	sst s1;
	(tag) =	ssettag s2;
	_ =	strace s9  }
0x27: {  	s1 =	sld [smem:$0x3FAD]  }
0x28: {  	s2 =	sld [smem:$0x3FAE]  }
0x29: {  	s4 =	sld [smem:$0x3FB0]  }
0x2a: {  	p0 =	seq.s32 s5, $0x0;
	s5 =	sld [smem:$0x3FB1]  }
0x2b: {  	s6 =	sld [smem:$0x3FB2]  }
0x2c: {  	s7 =	sld [smem:$0x3FB3]  }
0x2d: {  	s3 =	simm.s32 $0x108;
	s8 =	sld [smem:$0x3FB4]  }
0x2e: {  	s3 =	simm.s32 @!p0 $0x1082;
	s9 =	sld [smem:$0x3FB5]  }
0x2f: {  	lr =	sadd.s32 s0, s3;
	s0 =	sld [smem:$0x3FAC]  }
0x30: {  	s3 =	sld [smem:$0x3FAF]  }
0x31: {  	[smem:$0x3FB8] =	sst s10  }
0x32: {  	s10 =	sld [smem:$0x3FB6];
	_ =	sdelay $0x3  }
0x33: {  	p0 =	seq.s32 s10, $0x1;
	s10 =	sld [smem:$0x3FB8];
	_ =	sdelay $0x3  }
0x34: {  	[smem:$0x3FB8] =	sst s10  }
0x35: {  	s10 =	sld [smem:$0x3FB7];
	_ =	sdelay $0x3  }
0x36: {  	p1 =	seq.s32 s10, $0x1;
	s10 =	sld [smem:$0x3FB8];
	_ =	sdelay $0x3  }
0x37: {  	[smem:$0x3FB8] =	sst s10  }
0x38: {  	s10 =	sld [smem:$0x3FB9]  }
0x39: {  	_ = 	snop;
	(pc) =	sbr.ind lr, $3  }
0x3a: {  	_ = 	snop  }
0x3b: {  	_ = 	snop  }
0x3c: {  	p2 =	seq.s32 s10, $0x1;
	s10 =	sld [smem:$0x3FB8]  }
0x3d: {  	_ =	shalt  }
0x3e: {  	_ =	shalt  }
0x3f: {  	_ =	shalt  }
0x40: {  	_ =	shalt  }
0x41: {  	_ =	shalt  }
0x42: {  	_ =	shalt  }
0x43: {  	_ =	shalt  }
0x44: {  	_ =	shalt  }
0x45: {  	_ =	shalt  }
0x46: {  	_ =	shalt  }
0x47: {  	_ =	shalt  }
0x48: {  	_ =	shalt  }
0x49: {  	_ =	shalt  }
0x4a: {  	_ =	shalt  }
0x4b: {  	_ =	shalt  }
0x4c: {  	_ =	shalt  }
0x4d: {  	_ =	shalt  }
0x4e: {  	_ =	shalt  }
0x4f: {  	_ =	shalt  }
0x50: {  	_ =	shalt  }
0x51: {  	_ =	shalt  }
0x52: {  	_ =	shalt  }
0x53: {  	_ =	shalt  }
0x54: {  	_ =	shalt  }
0x55: {  	_ =	shalt  }
0x56: {  	_ =	shalt  }
0x57: {  	_ =	shalt  }
0x58: {  	_ =	shalt  }
0x59: {  	_ =	shalt  }
0x5a: {  	_ =	shalt  }
0x5b: {  	_ =	shalt  }
0x5c: {  	_ =	shalt  }
0x5d: {  	_ =	shalt  }
0x5e: {  	_ =	shalt  }
0x5f: {  	_ =	shalt  }
0x60: {  	_ =	shalt  }
0x61: {  	_ =	shalt  }
0x62: {  	_ =	shalt  }
0x63: {  	_ =	shalt  }
0x64: {  	_ =	shalt  }
0x65: {  	_ =	shalt  }
0x66: {  	_ =	shalt  }
0x67: {  	_ =	shalt  }
0x68: {  	_ =	shalt  }
0x69: {  	_ =	shalt  }
0x6a: {  	_ =	shalt  }
0x6b: {  	_ =	shalt  }
0x6c: {  	_ =	shalt  }
0x6d: {  	_ =	shalt  }
0x6e: {  	_ =	shalt  }
0x6f: {  	_ =	shalt  }
0x70: {  	_ =	shalt  }
0x71: {  	_ =	shalt  }
0x72: {  	_ =	shalt  }
0x73: {  	_ =	shalt  }
0x74: {  	_ =	shalt  }
0x75: {  	_ =	shalt  }
0x76: {  	_ =	shalt  }
0x77: {  	_ =	shalt  }
0x78: {  	_ =	shalt  }
0x79: {  	_ =	shalt  }
0x7a: {  	_ =	shalt  }
0x7b: {  	_ =	shalt  }
0x7c: {  	_ =	shalt  }
0x7d: {  	_ =	shalt  }
0x7e: {  	_ =	shalt  }
0x7f: {  	_ =	shalt  }
0x80: {  	_ =	shalt  }
0x81: {  	_ =	shalt  }
0x82: {  	_ =	shalt  }
0x83: {  	_ =	shalt  }
0x84: {  	_ =	shalt  }
0x85: {  	_ =	shalt  }
0x86: {  	_ =	shalt  }
0x87: {  	_ =	shalt  }
.Lfunc_end0:
.L_simem_size_0:
called_computation_lowered:
.L_overlay_start_0:
0x88: {  	s2 =	sld [smem:$0x3FD9]  }
0x89: {  	s3 =	sld [smem:$0x3FFE];
	_ =	sdelay $0x1  }
0x8a: {  	s1 =	srdreg.scid  }
0x8b: {  	s0 =	sand.u32 $0x1, s1  }
0x8c: {  	s17 =	sshll.u32 s0, $0xA;
	s2 =	sadd.s32 s3, s2  }
0x8d: {  	s2 =	sadd.s32 s2, s17  }
0x8e: {  	[smem:$0x3FC4] =	sst s2  }
0x8f: {  	_ = 	snop  }
0x90: {  	s2 =	sld [smem:$0x3FD0];
	(tm) =	ssettm $0x1  }
0x91: {  	s18 =	sld [smem:$0x3FFB];
	_ =	sdelay $0x3  }
0x92: {  	_ =	strace s18  }
0x93: {  	s3 =	sld [smem:$0x3FFC];
	_ =	sdelay $0x3  }
0x94: {  	_ =	strace s3  }
0x95: {  	s3 =	sld [smem:$0x3FFD];
	_ =	sdelay $0x3  }
0x96: {  	_ =	strace s3  }
0x97: {  	_ =	strace $0x8FFFFFFF  }
0x98: {  	s19 =	sld [smem:$0x3FDB];
	_ =	sdelay $0x1  }
0x99: {  	s4 =	simm.s32 $_scs_section_size  }
0x9a: {  	s5 =	simm.s32 $_size__tile_overlayer_lowered;
	s6 =	simm.s32 $_tile_overlayer_lowered  }
0x9b: {  	s22 =	simm.s32 $0x1BFF;
	s21 =	sshll.u32 s6, $0x1;
	s3 =	sadd.s32 s4, s19  }
0x9c: {  	s7 =	simm.s32 $0x0;
	s20 =	sshll.u32 s5, $0x1;
	s5 =	sadd.s32 s21, s3  }
0x9d: {  	[timem:s7], [sflag:s22] =	dma.local [hbm:s5], s20  }
0x9e: {  	_ =	swait.ge [sflag:s22], s20  }
0x9f: {  	s4 =	ssub.s32 $0x0, s20;
	[sflag:s22] =	ssyncset.done $0x0  }
0xa0: {  	[sflag:s22] =	ssyncadd.s32 s4;
	_ =	sdelay $0x1  }
0xa1: {  	s23 =	simm.s32 $0x1B8B  }
0xa2: {  	_ =	swait.ge [sflag:s23], $0x1  }
0xa3: {  	[sflag:s23] =	ssyncset.done $0x0  }
0xa4: {  	s25 =	simm.s32 $0x1B8E;
	s24 =	sld [smem:$0x3FFE];
	[sflag:s23] =	ssyncadd.s32 $0xFFFFFFFF  }
0xa5: {  	s26 =	simm.s32 $execute0_lowered;
	[smem:$0x3FD2] =	sst s25  }
0xa6: {  	s5 =	sshll.u32 s26, $0x1;
	_ =	strace $0x80000046;
	[dreg:$0x1] =	wrdreg $0xFFFFFFFF  }
0xa7: {  	s28 =	simm.s32 $_size_execute0_lowered;
	s3 =	sadd.s32 s3, s5;
	[dreg:$0x0] =	wrdreg $0x0  }
0xa8: {  	s5 =	sshll.u32 s28, $0x1;
	[dreg:$0x2] =	wrdreg s3  }
0xa9: {  	[dreg:$0x3] =	wrdreg s5  }
0xaa: {  	[dreg:$0x4] =	wrdreg $0xC0  }
0xab: {  	_ =	task [dreg:s7], $0x5FFFF  }
0xac: {  	[dreg:$0x1] =	wrdreg $0xFFFFFFFF  }
0xad: {  	[dreg:$0x0] =	wrdreg $0x60  }
0xae: {  	[dreg:$0x2] =	wrdreg s2  }
0xaf: {  	[dreg:$0x3] =	wrdreg s24  }
0xb0: {  	[dreg:$0x4] =	wrdreg $0x9  }
0xb1: {  	_ =	task.clear_ibuf [dreg:s7], $0x5FFFF;
	_ =	strace $0x90000046  }
0xb2: {  	s29 =	simm.s32 $0x9;
	_ =	strace $0x80000048  }
0xb3: {  	_ =	swait.ge [sflag:s29], $0x1  }
0xb4: {  	[sflag:s29] =	ssyncadd.s32 $0xFFFFFFFF  }
0xb5: {  	_ =	strace $0x90000048  }
0xb6: {  	_ =	sfence  }
0xb7: {  	s30 =	sld [smem:$0x0];
	_ =	sdelay $0x2  }
0xb8: {  	s31 =	sshll.u32 s1, $0xD;
	s1 =	sshrl.u32 s1, $0x2  }
0xb9: {  	s3 =	sand.u32 $0x4000, s31;
	s1 =	sadd.s32 s1, s30  }
0xba: {  	s0 =	sor.u32 s3, s0;
	s1 =	sshll.u32 s1, $0x11  }
0xbb: {  	s0 =	sor.u32 s1, s0  }
0xbc: {  	s0 =	sadd.s32 $0x8F2B, s0  }
0xbd: {  	[sflag:s0] =	ssyncadd.remote.s32 $0x1  }
0xbe: {  	_ =	sfence.sel $0xFFFF  }
0xbf: {  	[dreg:$0x0] =	wrdreg $0xFFFFFFFF;
	(pc) =	sbr.abs _section_cstart, $3  }
0xc0: {  	[dreg:$0x1] =	wrdreg $0xFFFFFFFF  }
0xc1: {  	_ =	task.clear_ibuf [dreg:s7], $0x2FFFF;
	_ =	strace $0x9FFFFFFF  }
0xc2: {  	(tm) =	ssettm $0x7FFFFFFF  }
0xc3: {  	_ =	shalt  }
tec
execute0_lowered:
.L_overlay_start_1:
0x0: {  	(tag) =	ssettag $0x1  }
0x1: {  	s1 =	srdreg.scid  }
0x2: {  	s0 =	stileid.u32;
	s4 =	rddreg [dreg:$0x0]  }
0x3: {  	s5 =	rddreg [dreg:$0x1];
	s2 =	simm.s32 $0x0;
	s14 =	simm.s32 $0x5400  }
0x4: {  	s15 =	simm.s32 $0x4;
	s16 =	simm.s32 $0x6D00;
	s17 =	simm.s32 $0x0  }
0x5: {  	s7 =	sand.u32 $0x1, s1;
	s25 =	sshll.u32 s0, $0x1;
	s1 =	rddreg [dreg:$0x2]  }
0x6: {  	[smem:$0x7FF] =	sst s2;
	s10 =	sadd.s32 $0xF42800, s5;
	s11 =	smul.u32 $0x1C0000, s0  }
0x7: {  	s29 =	smul.u32 $0x38000, s0;
	s6 =	sor.u32 s7, s25;
	_ =	strace $0x80000047  }
0x8: {  	s26 =	ssub.s32 $0x2, s7;
	s13 =	smul.u32 $0xE0000, s7;
	s3 =	sshll.u32 s6, $0x7  }
0x9: {  	s30 =	smul.u32 $0x1C000, s7;
	s12 =	sshrl.u32 s26, $0x1;
	s8 =	sor.u32 $0x7E, s3  }
0xa: {  	s6 =	sshll.u32 s6, $0xA;
	s31 =	sadd.s32 s29, s10;
	s9 =	smul.u32 $0x380, s8  }
0xb: {  	s3 =	sadd.s32 $0x400, s5;
	s5 =	ssub.s32 s26, s12;
	s8 =	smul.u32 $0x1C00, s8  }
0xc: {  	s4 =	sadd.s32 s4, s6;
	s28 =	sadd.s32 s13, s11;
	s11 =	simm.s32 $0x64  }
0xd: {  	s12 =	simm.s32 $0x2000;
	s13 =	simm.s32 $0x2;
	s8 =	sshrl.u32 s8, $0x3  }
0xe: {  	s6 =	sadd.s32 s10, s9;
	s9 =	sor.u32 $0x1C00, s28;
	s8 =	sadd.s32 s10, s8  }
0xf: {  	s5 =	smax.u32 s5, $0x1;
	s9 =	sshrl.u32 s9, $0x3;
	s7 =	sadd.s32 $0x380, s8  }
0x10: {  	s8 =	sadd.s32 s9, s10;
	s9 =	sadd.s32 s30, s31;
	s10 =	simm.s32 $0x3  }
.LBB2_1:
0x11: {  	[tilespmem:s2], [sflag:$0x3] =	stream.linear.gather [hbm4b:s4+s2], $0x2000, $0x38;
	[tilespmem:$0x8800] =	vst v63  }
0x12: {  	_ =	swait.ge [sflag:s10], $0x2000  }
0x13: {  	s18 =	sand.u32 $0x1, s2;
	[sflag:s10] =	ssyncset.done $0x0  }
0x14: {  	s19 =	simm.s32 $0x80;
	p0 =	seq.s32 s18, $0x1;
	[sflag:s10] =	ssyncadd.s32 $0xFFFFE000  }
0x15: {  	[tilespmem:s12], [sflag:$0x1] =	stream.indirect.gather [hbm4b:s3+s11], $0x80, s2, s11, $0xb8;
	[tilespmem:$0x8800] =	vst v63  }
0x16: {  	s18 =	simm.s32 @p0 $0x64;
	s20 =	simm.s32 @p0 $0x2000;
	s21 =	simm.s32 @p0 $0x2  }
0x17: {  	[tilespmem:s20], [sflag:$0x1] =	stream.indirect.gather @p0 [hbm4b:s3+s18], $0x80, s19, s18, $0xb8;
	[tilespmem:$0x8800] =	vst v63  }
0x18: {  	_ =	swait.ge @p0 [sflag:s21], $0x3200  }
0x19: {  	s18 =	simm.s32 @p0 $0x4;
	[sflag:s21] =	ssyncset.done @p0 $0x0  }
0x1a: {  	s20 =	simm.s32 @p0 $0x0;
	[sflag:s21] =	ssyncadd.s32 @p0 $0xFFFFCE00;
	s21 =	simm.s32 @p0 $0x5400  }
0x1b: {  	[hbm4b:s9+s20] =	stream.linear.scatter @p0 [tilespmem:s21], [sflag:$0x4], $0x1900, $0x38;
	[tilespmem:$0x8800] =	vst v63  }
0x1c: {  	_ =	swait.ge @p0 [sflag:s18], $0x1900  }
0x1d: {  	[sflag:s18] =	ssyncset.done @p0 $0x0  }
0x1e: {  	[sflag:s18] =	ssyncadd.s32 @p0 $0xFFFFE700;
	s18 =	simm.s32 @p0 $0x6D00  }
0x1f: {  	[hbm4b:s8+s20] =	stream.linear.scatter @p0 [tilespmem:s18], [sflag:$0x3], $0x1900, $0x38;
	[tilespmem:$0x8800] =	vst v63  }
0x20: {  	s21 =	simm.s32 @!p0 $0x1;
	s18 =	simm.s32 @!p0 $0x64;
	s20 =	simm.s32 @!p0 $0x5400  }
0x21: {  	[tilespmem:s20], [sflag:$0x2] =	stream.indirect.gather @!p0 [hbm4b:s3+s18], $0x80, s19, s18, $0xb8;
	[tilespmem:$0x8800] =	vst v63  }
0x22: {  	_ =	swait.ge @!p0 [sflag:s21], $0x3200  }
0x23: {  	s22 =	simm.s32 @!p0 $0x4;
	[sflag:s21] =	ssyncset.done @!p0 $0x0  }
0x24: {  	s18 =	simm.s32 @!p0 $0x0;
	s19 =	simm.s32 @!p0 $0x2000;
	[sflag:s21] =	ssyncadd.s32 @!p0 $0xFFFFCE00  }
0x25: {  	[hbm4b:s9+s18] =	stream.linear.scatter @!p0 [tilespmem:s19], [sflag:$0x4], $0x1900, $0x38;
	[tilespmem:$0x8800] =	vst v63  }
0x26: {  	s23 =	simm.s32 $0x1;
	_ =	swait.ge @!p0 [sflag:s22], $0x1900  }
0x27: {  	s31 =	sand.u32 $0x1, s23;
	[sflag:s22] =	ssyncset.done @!p0 $0x0  }
0x28: {  	s20 =	simm.s32 $0x100;
	s19 =	simm.s32 @!p0 $0x3900;
	[sflag:s22] =	ssyncadd.s32 @!p0 $0xFFFFE700  }
0x29: {  	[hbm4b:s8+s18] =	stream.linear.scatter @!p0 [tilespmem:s19], [sflag:$0x4], $0x1900, $0x38;
	[tilespmem:$0x8800] =	vst v63  }
0x2a: {  	s21 =	simm.s32 $0x2;
	s22 =	simm.s32 @p0 $0x3;
	s19 =	sadd.s32 $0x700, s9  }
0x2b: {  	p0 =	seq.s32 s31, $0x1;
	s18 =	sadd.s32 $0x700, s8;
	_ =	swait.ge [sflag:s22], $0x1900  }
.LBB2_2:
0x2c: {  	s23 =	simm.s32 @p0 $0x64  }
0x2d: {  	s24 =	simm.s32 @p0 $0x2000;
	[sflag:s22] =	ssyncset.done $0x0;
	s25 =	smov.u32 s21  }
0x2e: {  	s21 =	sadd.s32 $0x1, s21;
	s26 =	simm.s32 @p0 $0x2;
	[sflag:s22] =	ssyncadd.s32 $0xFFFFE700  }
0x2f: {  	[tilespmem:s24], [sflag:$0x1] =	stream.indirect.gather @p0 [hbm4b:s3+s23], $0x80, s20, s23, $0xb8;
	[tilespmem:$0x8800] =	vst v63  }
0x30: {  	p1 =	sne.s32 s21, $0x3F;
	_ =	swait.ge @p0 [sflag:s26], $0x3200  }
0x31: {  	s22 =	simm.s32 @p0 $0x4;
	[sflag:s26] =	ssyncset.done @p0 $0x0  }
0x32: {  	s23 =	simm.s32 @p0 $0x0;
	s24 =	simm.s32 @p0 $0x5400;
	[sflag:s26] =	ssyncadd.s32 @p0 $0xFFFFCE00  }
0x33: {  	[hbm4b:s19+s23] =	stream.linear.scatter @p0 [tilespmem:s24], [sflag:$0x4], $0x1900, $0x38;
	[tilespmem:$0x8800] =	vst v63  }
0x34: {  	_ =	swait.ge @p0 [sflag:s22], $0x1900  }
0x35: {  	[sflag:s22] =	ssyncset.done @p0 $0x0  }
0x36: {  	[sflag:s22] =	ssyncadd.s32 @p0 $0xFFFFE700;
	s22 =	simm.s32 @p0 $0x6D00  }
0x37: {  	[hbm4b:s18+s23] =	stream.linear.scatter @p0 [tilespmem:s22], [sflag:$0x3], $0x1900, $0x38;
	[tilespmem:$0x8800] =	vst v63  }
0x38: {  	s24 =	simm.s32 @!p0 $0x1;
	s22 =	simm.s32 @!p0 $0x64;
	s23 =	simm.s32 @!p0 $0x5400  }
0x39: {  	[tilespmem:s23], [sflag:$0x2] =	stream.indirect.gather @!p0 [hbm4b:s3+s22], $0x80, s20, s22, $0xb8;
	[tilespmem:$0x8800] =	vst v63  }
0x3a: {  	_ =	swait.ge @!p0 [sflag:s24], $0x3200  }
0x3b: {  	s23 =	simm.s32 @!p0 $0x4;
	s22 =	simm.s32 @!p0 $0x2000;
	[sflag:s24] =	ssyncset.done @!p0 $0x0  }
0x3c: {  	s20 =	sadd.s32 $0x80, s20;
	[sflag:s24] =	ssyncadd.s32 @!p0 $0xFFFFCE00;
	s24 =	simm.s32 @!p0 $0x0  }
0x3d: {  	[hbm4b:s19+s24] =	stream.linear.scatter @!p0 [tilespmem:s22], [sflag:$0x4], $0x1900, $0x38;
	[tilespmem:$0x8800] =	vst v63  }
.Ltmp0:
0x3e: {  	s22 =	simm.s32 @!p0 $0x4;
	_ =	swait.ge @!p0 [sflag:s23], $0x1900;
	(pc) =	sbr.rel @p1 .LBB2_2-.Ltmp0, $4  }
0x3f: {  	s19 =	sadd.s32 $0x700, s19;
	s22 =	simm.s32 @p0 $0x3;
	[sflag:s23] =	ssyncset.done @!p0 $0x0  }
0x40: {  	s25 =	sand.u32 $0x1, s25;
	[sflag:s23] =	ssyncadd.s32 @!p0 $0xFFFFE700;
	s23 =	simm.s32 @!p0 $0x3900  }
0x41: {  	[hbm4b:s18+s24] =	stream.linear.scatter @!p0 [tilespmem:s23], [sflag:$0x4], $0x1900, $0x38;
	[tilespmem:$0x8800] =	vst v63  }
0x42: {  	p0 =	seq.s32 s25, $0x1;
	s18 =	sadd.s32 $0x700, s18;
	_ =	swait.ge [sflag:s22], $0x1900  }
0x43: {  	s21 =	simm.s32 @p0 $0x64;
	[sflag:s22] =	ssyncset.done $0x0  }
0x44: {  	s23 =	simm.s32 @p0 $0x2000;
	s24 =	simm.s32 @p0 $0x2;
	[sflag:s22] =	ssyncadd.s32 $0xFFFFE700  }
0x45: {  	[tilespmem:s23], [sflag:$0x1] =	stream.indirect.gather @p0 [hbm4b:s3+s21], $0x80, s20, s21, $0xb8;
	[tilespmem:$0x8800] =	vst v63  }
0x46: {  	_ =	swait.ge @p0 [sflag:s24], $0x3200  }
0x47: {  	s22 =	simm.s32 @p0 $0x0;
	[sflag:s24] =	ssyncset.done @p0 $0x0  }
0x48: {  	s21 =	simm.s32 @p0 $0x4;
	s23 =	simm.s32 @p0 $0x5400;
	[sflag:s24] =	ssyncadd.s32 @p0 $0xFFFFCE00  }
0x49: {  	[hbm4b:s19+s22] =	stream.linear.scatter @p0 [tilespmem:s23], [sflag:$0x4], $0x1900, $0x38;
	[tilespmem:$0x8800] =	vst v63  }
0x4a: {  	_ =	swait.ge @p0 [sflag:s21], $0x1900  }
0x4b: {  	[sflag:s21] =	ssyncset.done @p0 $0x0  }
0x4c: {  	[sflag:s21] =	ssyncadd.s32 @p0 $0xFFFFE700;
	s21 =	simm.s32 @p0 $0x6D00  }
0x4d: {  	[hbm4b:s18+s22] =	stream.linear.scatter @p0 [tilespmem:s21], [sflag:$0x3], $0x1900, $0x38;
	[tilespmem:$0x8800] =	vst v63  }
0x4e: {  	s23 =	simm.s32 @!p0 $0x1;
	s21 =	simm.s32 @!p0 $0x64;
	s22 =	simm.s32 @!p0 $0x5400  }
0x4f: {  	[tilespmem:s22], [sflag:$0x2] =	stream.indirect.gather @!p0 [hbm4b:s3+s21], $0x80, s20, s21, $0xb8;
	[tilespmem:$0x8800] =	vst v63  }
0x50: {  	_ =	swait.ge @!p0 [sflag:s23], $0x3200  }
0x51: {  	s20 =	simm.s32 @!p0 $0x4;
	[sflag:s23] =	ssyncset.done @!p0 $0x0  }
0x52: {  	s21 =	simm.s32 @!p0 $0x0;
	s22 =	simm.s32 @!p0 $0x2000;
	[sflag:s23] =	ssyncadd.s32 @!p0 $0xFFFFCE00  }
0x53: {  	[hbm4b:s19+s21] =	stream.linear.scatter @!p0 [tilespmem:s22], [sflag:$0x4], $0x1900, $0x38;
	[tilespmem:$0x8800] =	vst v63  }
0x54: {  	_ =	swait.ge @!p0 [sflag:s20], $0x1900  }
0x55: {  	[sflag:s20] =	ssyncset.done @!p0 $0x0  }
0x56: {  	s19 =	simm.s32 @!p0 $0x3900;
	[sflag:s20] =	ssyncadd.s32 @!p0 $0xFFFFE700;
	s20 =	simm.s32 @p0 $0x3  }
0x57: {  	[hbm4b:s18+s21] =	stream.linear.scatter @!p0 [tilespmem:s19], [sflag:$0x4], $0x1900, $0x38;
	[tilespmem:$0x8800] =	vst v63  }
0x58: {  	_ =	swait.ge [sflag:s20], $0x1900  }
0x59: {  	[sflag:s20] =	ssyncset.done $0x0  }
0x5a: {  	[sflag:s20] =	ssyncadd.s32 $0xFFFFE700  }
0x5b: {  	_ =	swait.ge [sflag:s13], $0x3200  }
0x5c: {  	[sflag:s13] =	ssyncset.done $0x0  }
0x5d: {  	[sflag:s13] =	ssyncadd.s32 $0xFFFFCE00  }
0x5e: {  	[hbm4b:s6+s2] =	stream.linear.scatter [tilespmem:s14], [sflag:$0x4], $0x1900, $0x38;
	[tilespmem:$0x8800] =	vst v63  }
0x5f: {  	s17 =	sadd.s32 $0x1, s17;
	_ =	swait.ge [sflag:s15], $0x1900  }
0x60: {  	p0 =	sne.s32 s17, s5;
	[sflag:s15] =	ssyncset.done $0x0  }
.Ltmp1:
0x61: {  	[sflag:s15] =	ssyncadd.s32 $0xFFFFE700;
	(pc) =	sbr.rel @p0 .LBB2_1-.Ltmp1, $4  }
0x62: {  	[hbm4b:s7+s2] =	stream.linear.scatter [tilespmem:s16], [sflag:$0x3], $0x1900, $0x38;
	[tilespmem:$0x8800] =	vst v63  }
0x63: {  	_ =	swait.ge [sflag:s10], $0x1900  }
0x64: {  	[sflag:s10] =	ssyncset.done $0x0  }
0x65: {  	[sflag:s10] =	ssyncadd.s32 $0xFFFFE700  }
0x66: {  	_ =	sfence.sel $0x180000  }
0x67: {  	[bflag:$0x0] =	sbarrier.arrive $0xFFFF  }
0x68: {  	p0 =	sne.s32 s0, $0x0;
	_ =	strace $0x90000047  }
0x69: {  	s0 =	sadd.s32 @!p0 $0x100000, s1;
	[bflag:$0x2] =	sbarrier.arrive $0xFFFF  }
0x6a: {  	[sflag:s0] =	ssyncadd.tile.s32 @!p0 $0x1;
	_ =	shalt  }
.Lfunc_end2:
_tile_overlayer_lowered:
.L_overlay_start_2:
0x6b: {  	(tag) =	ssettag $0x2  }
0x6c: {  	s0 =	rddreg [dreg:$0x0];
	s2 =	stileid.u32  }
0x6d: {  	s1 =	rddreg [dreg:$0x1];
	p0 =	sne.s32 s2, $0x0  }
0x6e: {  	s3 =	rddreg [dreg:$0x2];
	[bflag:$0x3] =	sbarrier.arrive $0xFFFF;
	s2 =	simm.s32 @!p0 $0x1C03  }
0x6f: {  	[timem:s3], [sflag:s2] =	dma.local @!p0 [hbm:s0], s1  }
0x70: {  	s0 =	simm.s32 @!p0 $0x3  }
0x71: {  	_ =	swait.ge @!p0 [sflag:s0], s1  }
0x72: {  	s1 =	ssub.s32 @!p0 $0x0, s1;
	[sflag:s0] =	ssyncset.done @!p0 $0x0  }
0x73: {  	[sflag:s0] =	ssyncadd.s32 @!p0 s1  }
0x74: {  	[bflag:$0x3] =	sbarrier.arrive $0xFFFF  }
0x75: {  	_ =	shalt  }

</sc_bundles>
